<compile_context>
chip_gen: v7x
topology: tpu7x:2x2x1
jax: 0.10.2.dev20260603
libtpu: 0.0.44.dev20260713+nightly
codegen_flags: <defaults>
</compile_context>

<pallas_src>
import jax
import jax.numpy as jnp
from jax.experimental import pallas as pl
from jax.experimental.pallas import tpu as pltpu


def _body(adj_ref, feat_ref, w_ref, b_ref, out_ref):
    adj16 = adj_ref[0]
    f = feat_ref[0]
    adj32 = adj16.astype(jnp.int32)
    ind = ((adj32 >> 31) + 1).astype(jnp.float32)
    jrow = jax.lax.broadcasted_iota(jnp.int32, (128, 128), 0)
    modd = jnp.where(jrow % 2 == 1, 1.0, 0.0)
    cnt = jnp.dot(ind, modd, preferred_element_type=jnp.float32)
    t = jnp.dot(f, w_ref[...], preferred_element_type=jnp.float32)
    t = jnp.maximum(t + b_ref[...], 0.0)
    out_ref[0] = jnp.where(cnt > 0.0, t, f)


@jax.jit
def kernel(adjacency, features, kernel, bias):
    B, V, R, NB = adjacency.shape
    F = features.shape[-1]
    U = kernel.shape[-1]
    adj3 = jax.lax.bitcast_convert_type(
        adjacency.reshape(B, V, R * NB), jnp.int16).reshape(B, V, 2 * R * NB)
    rows = 10000
    grid = (B, V // rows)
    out = pl.pallas_call(
        _body,
        grid=grid,
        in_specs=[
            pl.BlockSpec((1, rows, 2 * R * NB), lambda b, i: (b, i, 0)),
            pl.BlockSpec((1, rows, F), lambda b, i: (b, i, 0)),
            pl.BlockSpec((F, U), lambda b, i: (0, 0)),
            pl.BlockSpec((1, U), lambda b, i: (0, 0)),
        ],
        out_specs=pl.BlockSpec((1, rows, U), lambda b, i: (b, i, 0)),
        out_shape=jax.ShapeDtypeStruct((B, V, U), jnp.float32),
    )(adj3, features, kernel, bias.reshape(1, U))
    return out

# --- scband reference (transcript-rebuilt; emitter-appended) ---
"""Pipeline reference for scband-conv-graph-self-loop-19645180412612 (READ-ONLY COPY).

The authoritative reference and input builder live on the scoring server;
editing this copy changes nothing except your own understanding.
"""

import jax, jax.numpy as jnp
import numpy as np

B, V, R, NB = 8, 10000, 4, 16
F_IN, UNITS = 128, 128


def setup_inputs(seed: int = 0) -> dict:
    key = jax.random.key(seed)
    k1, k2, k3 = jax.random.split(key, 3)
    adjacency = jax.random.randint(k1, (B, V, R, NB), 0, V, dtype=jnp.int32)
    features = jax.random.normal(k2, (B, V, F_IN), dtype=jnp.float32)
    # glorot_uniform kernel, zeros bias (per layer defaults)
    limit = float(np.sqrt(6.0 / (F_IN + UNITS)))
    kernel = jax.random.uniform(k3, (F_IN, UNITS), minval=-limit, maxval=limit, dtype=jnp.float32)
    bias = jnp.zeros((UNITS,), dtype=jnp.float32)
    return {"adjacency": adjacency, "features": features, "kernel": kernel, "bias": bias}


def reference(adjacency, features, kernel, bias):
    # valid vertices: at least one neighbor index >= 0 in the padded adjacency
    mask = jnp.any(adjacency >= 0, axis=(2, 3))  # (B, V)
    transformed = features @ kernel  # (B, V, UNITS)
    transformed = transformed + bias  # bias_add
    transformed = jax.nn.relu(transformed)  # activation
    # default features: zeros if in/out dims differ, else passthrough of input features
    if kernel.shape[0] != kernel.shape[1]:
        def_features = jnp.zeros(features.shape[:-1] + (kernel.shape[1],), dtype=features.dtype)
    else:
        def_features = features
    out = jnp.where(mask[..., None], transformed, def_features)
    return out

if __name__ == "__main__":
    import jax
    _d = setup_inputs()
    print(jax.jit(kernel)(*tuple(_d.values())))

</pallas_src>

<mosaic_0001>
module attributes {stable_mosaic.version = 14 : i64} {
  func.func @_body(%arg0: i32, %arg1: i32, %arg2: memref<1x10000x128xi16, #tpu.memory_space<vmem>>, %arg3: memref<1x10000x128xf32, #tpu.memory_space<vmem>>, %arg4: memref<128x128xf32, #tpu.memory_space<vmem>>, %arg5: memref<1x128xf32, #tpu.memory_space<vmem>>, %arg6: memref<1x10000x128xf32, #tpu.memory_space<vmem>>) attributes {dimension_semantics = [#tpu.dimension_semantics<arbitrary>, #tpu.dimension_semantics<arbitrary>], iteration_bounds = array<i64: 8, 1>, scalar_prefetch = 0 : i64, scratch_operands = 0 : i64, tpu.core_type = #tpu.core_type<tc>, window_params = [{transform_indices = @transform_0, window_bounds = array<i64: 1, 10000, 128>}, {transform_indices = @transform_1, window_bounds = array<i64: 1, 10000, 128>}, {pipeline_mode = #tpu.pipeline_mode<synchronous>, transform_indices = @transform_2, window_bounds = array<i64: 128, 128>}, {pipeline_mode = #tpu.pipeline_mode<synchronous>, transform_indices = @transform_3, window_bounds = array<i64: 1, 128>}, {transform_indices = @transform_4, window_bounds = array<i64: 1, 10000, 128>}]} {
    %get3A = arith.constant 0 : index
    %get3A_0 = arith.constant 0 : index
    %get3A_1 = arith.constant 0 : index
    %get3A_2 = vector.load %arg2[%get3A, %get3A_0, %get3A_1] : memref<1x10000x128xi16, #tpu.memory_space<vmem>>, vector<1x10000x128xi16>
    %get3A_3 = vector.shape_cast %get3A_2 : vector<1x10000x128xi16> to vector<10000x128xi16>
    %get3A_4 = arith.constant 0 : index
    %get3A_5 = arith.constant 0 : index
    %get3A_6 = arith.constant 0 : index
    %get3A_7 = vector.load %arg3[%get3A_4, %get3A_5, %get3A_6] : memref<1x10000x128xf32, #tpu.memory_space<vmem>>, vector<1x10000x128xf32>
    %get3A_8 = vector.shape_cast %get3A_7 : vector<1x10000x128xf32> to vector<10000x128xf32>
    %convert_element_type3A = arith.extsi %get3A_3 : vector<10000x128xi16> to vector<10000x128xi32>
    %shift_right_arithmetic3A = arith.constant 31 : i32
    %shift_right_arithmetic3A_9 = vector.broadcast %shift_right_arithmetic3A : i32 to vector<10000x128xi32>
    %shift_right_arithmetic3A_10 = arith.shrsi %convert_element_type3A, %shift_right_arithmetic3A_9 : vector<10000x128xi32>
    %add3A = arith.constant 1 : i32
    %add3A_11 = vector.broadcast %add3A : i32 to vector<10000x128xi32>
    %add3A_12 = arith.addi %shift_right_arithmetic3A_10, %add3A_11 : vector<10000x128xi32>
    %convert_element_type3A_13 = arith.sitofp %add3A_12 : vector<10000x128xi32> to vector<10000x128xf32>
    %iota3A = tpu.iota {dimensions = array<i32: 0>} : vector<128x128xi32>
    %jit3A = arith.constant 2 : i32
    %eq3A = arith.constant 0 : i32
    %eq3A_14 = arith.cmpi eq, %jit3A, %eq3A : i32
    %jit3A_15 = arith.constant 1 : i32
    %select_n3A = arith.select %eq3A_14, %jit3A_15, %jit3A : i32
    %rem3A = vector.broadcast %select_n3A : i32 to vector<128x128xi32>
    %rem3A_16 = arith.remsi %iota3A, %rem3A : vector<128x128xi32>
    %ne3A = arith.constant 0 : i32
    %ne3A_17 = vector.broadcast %ne3A : i32 to vector<128x128xi32>
    %ne3A_18 = arith.cmpi ne, %rem3A_16, %ne3A_17 : vector<128x128xi32>
    %lt3A = arith.constant 0 : i32
    %lt3A_19 = vector.broadcast %lt3A : i32 to vector<128x128xi32>
    %lt3A_20 = arith.cmpi slt, %rem3A_16, %lt3A_19 : vector<128x128xi32>
    %lt3A_21 = arith.constant 0 : i32
    %lt3A_22 = arith.cmpi slt, %select_n3A, %lt3A_21 : i32
    %ne3A_23 = vector.broadcast %lt3A_22 : i1 to vector<128x128xi1>
    %ne3A_24 = vector.broadcast %ne3A_23 : vector<128x128xi1> to vector<128x128xi1>
    %ne3A_25 = arith.xori %lt3A_20, %ne3A_24 : vector<128x128xi1>
    %and3A = arith.andi %ne3A_25, %ne3A_18 : vector<128x128xi1>
    %add3A_26 = vector.broadcast %select_n3A : i32 to vector<128x128xi32>
    %add3A_27 = arith.addi %rem3A_16, %add3A_26 : vector<128x128xi32>
    %select_n3A_28 = arith.select %and3A, %add3A_27, %rem3A_16 : vector<128x128xi1>, vector<128x128xi32>
    %eq3A_29 = arith.constant 1 : i32
    %eq3A_30 = vector.broadcast %eq3A_29 : i32 to vector<128x128xi32>
    %eq3A_31 = arith.cmpi eq, %select_n3A_28, %eq3A_30 : vector<128x128xi32>
    %jit3A_32 = arith.constant 1.000000e+00 : f32
    %jit3A_33 = arith.constant 0.000000e+00 : f32
    %broadcast_in_dim3A = vector.broadcast %jit3A_32 : f32 to vector<128x128xf32>
    %broadcast_in_dim3A_34 = vector.broadcast %jit3A_33 : f32 to vector<128x128xf32>
    %select_n3A_35 = arith.select %eq3A_31, %broadcast_in_dim3A, %broadcast_in_dim3A_34 : vector<128x128xi1>, vector<128x128xf32>
    %dot_general3A = arith.constant dense<0.000000e+00> : vector<10000x128xf32>
    %dot_general3A_36 = tpu.matmul %convert_element_type3A_13, %select_n3A_35, %dot_general3A {dimension_numbers = #tpu.dot_dimension_numbers<[1], [0], [0], [1], [0, 0, 1, 1], [], []>, transpose_lhs_hint = false} : vector<10000x128xf32>, vector<128x128xf32>, vector<10000x128xf32> -> vector<10000x128xf32>
    %get3A_37 = arith.constant 0 : index
    %get3A_38 = arith.constant 0 : index
    %get3A_39 = vector.load %arg4[%get3A_37, %get3A_38] : memref<128x128xf32, #tpu.memory_space<vmem>>, vector<128x128xf32>
    %dot_general3A_40 = arith.constant dense<0.000000e+00> : vector<10000x128xf32>
    %dot_general3A_41 = tpu.matmul %get3A_8, %get3A_39, %dot_general3A_40 {dimension_numbers = #tpu.dot_dimension_numbers<[1], [0], [0], [1], [0, 0, 1, 1], [], []>, transpose_lhs_hint = false} : vector<10000x128xf32>, vector<128x128xf32>, vector<10000x128xf32> -> vector<10000x128xf32>
    %get3A_42 = arith.constant 0 : index
    %get3A_43 = arith.constant 0 : index
    %get3A_44 = vector.load %arg5[%get3A_42, %get3A_43] : memref<1x128xf32, #tpu.memory_space<vmem>>, vector<1x128xf32>
    %add3A_45 = vector.broadcast %get3A_44 : vector<1x128xf32> to vector<10000x128xf32>
    %add3A_46 = arith.addf %dot_general3A_41, %add3A_45 : vector<10000x128xf32>
    %max3A = arith.constant 0.000000e+00 : f32
    %max3A_47 = vector.broadcast %max3A : f32 to vector<10000x128xf32>
    %max3A_48 = arith.maximumf %add3A_46, %max3A_47 : vector<10000x128xf32>
    %gt3A = arith.constant 0.000000e+00 : f32
    %gt3A_49 = vector.broadcast %gt3A : f32 to vector<10000x128xf32>
    %gt3A_50 = arith.cmpf ogt, %dot_general3A_36, %gt3A_49 : vector<10000x128xf32>
    %select_n3A_51 = arith.select %gt3A_50, %max3A_48, %get3A_8 : vector<10000x128xi1>, vector<10000x128xf32>
    %swap3A = arith.constant 0 : index
    %swap3A_52 = arith.constant 0 : index
    %swap3A_53 = arith.constant 0 : index
    %swap3A_54 = vector.load %arg6[%swap3A, %swap3A_52, %swap3A_53] : memref<1x10000x128xf32, #tpu.memory_space<vmem>>, vector<1x10000x128xf32>
    %swap3A_55 = vector.shape_cast %swap3A_54 : vector<1x10000x128xf32> to vector<10000x128xf32>
    %swap3A_56 = vector.shape_cast %select_n3A_51 : vector<10000x128xf32> to vector<1x10000x128xf32>
    tpu.vector_store %arg6[%swap3A, %swap3A_52, %swap3A_53], %swap3A_56 {strides = array<i32>} : memref<1x10000x128xf32, #tpu.memory_space<vmem>>, vector<1x10000x128xf32>,
    return
  }
  func.func @transform_0(%arg0: i32, %arg1: i32) -> (i32, i32, i32) {
    %c0_i32 = arith.constant 0 : i32
    %c0_i32_0 = arith.constant 0 : i32
    return %arg0, %arg1, %c0_i32 : i32, i32, i32
  }
  func.func @transform_1(%arg0: i32, %arg1: i32) -> (i32, i32, i32) {
    %c0_i32 = arith.constant 0 : i32
    %c0_i32_0 = arith.constant 0 : i32
    return %arg0, %arg1, %c0_i32 : i32, i32, i32
  }
  func.func @transform_2(%arg0: i32, %arg1: i32) -> (i32, i32) {
    %c0_i32 = arith.constant 0 : i32
    %c0_i32_0 = arith.constant 0 : i32
    %c0_i32_1 = arith.constant 0 : i32
    return %c0_i32, %c0_i32_0 : i32, i32
  }
  func.func @transform_3(%arg0: i32, %arg1: i32) -> (i32, i32) {
    %c0_i32 = arith.constant 0 : i32
    %c0_i32_0 = arith.constant 0 : i32
    %c0_i32_1 = arith.constant 0 : i32
    return %c0_i32, %c0_i32_0 : i32, i32
  }
  func.func @transform_4(%arg0: i32, %arg1: i32) -> (i32, i32, i32) {
    %c0_i32 = arith.constant 0 : i32
    %c0_i32_0 = arith.constant 0 : i32
    return %arg0, %arg1, %c0_i32 : i32, i32, i32
  }
}

</mosaic_0001>

<sc_bundles>
// kernel: sparse-core-data-format-call.cloned.1.call-start
scs
called_computation_lowered:
.L_overlay_start_0:
0x0: {  	s2 =	sld [smem:$0x3FD9]  }
0x1: {  	s3 =	sld [smem:$0x3FFE];
	_ =	sdelay $0x1  }
0x2: {  	s1 =	srdreg.scid  }
0x3: {  	s0 =	sand.u32 $0x1, s1  }
0x4: {  	s18 =	sshll.u32 s0, $0xA;
	s2 =	sadd.s32 s3, s2  }
0x5: {  	s2 =	sadd.s32 s2, s18  }
0x6: {  	[smem:$0x3FC4] =	sst s2  }
0x7: {  	_ = 	snop  }
0x8: {  	s2 =	sld [smem:$0x3FD0];
	(tm) =	ssettm $0x1  }
0x9: {  	s19 =	sld [smem:$0x3FFB];
	_ =	sdelay $0x3  }
0xa: {  	_ =	strace s19  }
0xb: {  	s3 =	sld [smem:$0x3FFC];
	_ =	sdelay $0x3  }
0xc: {  	_ =	strace s3  }
0xd: {  	s3 =	sld [smem:$0x3FFD];
	_ =	sdelay $0x3  }
0xe: {  	_ =	strace s3  }
0xf: {  	_ =	strace $0x8FFFFFFF  }
0x10: {  	s20 =	sld [smem:$0x3FDB];
	_ =	sdelay $0x1  }
0x11: {  	s4 =	simm.s32 $_scs_section_size  }
0x12: {  	s5 =	simm.s32 $_size__tile_overlayer_lowered;
	s6 =	simm.s32 $_tile_overlayer_lowered  }
0x13: {  	s23 =	simm.s32 $0x1BFF;
	s22 =	sshll.u32 s6, $0x1;
	s3 =	sadd.s32 s4, s20  }
0x14: {  	s7 =	simm.s32 $0x0;
	s21 =	sshll.u32 s5, $0x1;
	s5 =	sadd.s32 s22, s3  }
0x15: {  	[timem:s7], [sflag:s23] =	dma.local [hbm:s5], s21  }
0x16: {  	_ =	swait.ge [sflag:s23], s21  }
0x17: {  	s4 =	ssub.s32 $0x0, s21;
	[sflag:s23] =	ssyncset.done $0x0  }
0x18: {  	[sflag:s23] =	ssyncadd.s32 s4;
	_ =	sdelay $0x1  }
0x19: {  	s24 =	simm.s32 $0x1B8B  }
0x1a: {  	_ =	swait.ge [sflag:s24], $0x1  }
0x1b: {  	[sflag:s24] =	ssyncset.done $0x0  }
0x1c: {  	s26 =	simm.s32 $0x1B8E;
	s25 =	sld [smem:$0x3FFE];
	[sflag:s24] =	ssyncadd.s32 $0xFFFFFFFF  }
0x1d: {  	s27 =	simm.s32 $execute0_lowered;
	[smem:$0x3FD2] =	sst s26  }
0x1e: {  	s5 =	sshll.u32 s27, $0x1;
	_ =	strace $0x80000046;
	[dreg:$0x1] =	wrdreg $0xFFFFFFFF  }
0x1f: {  	s28 =	simm.s32 $_size_execute0_lowered;
	s3 =	sadd.s32 s3, s5;
	[dreg:$0x0] =	wrdreg $0x0  }
0x20: {  	s5 =	sshll.u32 s28, $0x1;
	[dreg:$0x2] =	wrdreg s3  }
0x21: {  	[dreg:$0x3] =	wrdreg s5  }
0x22: {  	[dreg:$0x4] =	wrdreg $0xC0  }
0x23: {  	_ =	task [dreg:s7], $0x5FFFF  }
0x24: {  	[dreg:$0x1] =	wrdreg $0xFFFFFFFF  }
0x25: {  	[dreg:$0x0] =	wrdreg $0x60  }
0x26: {  	[dreg:$0x2] =	wrdreg s25  }
0x27: {  	[dreg:$0x3] =	wrdreg s2  }
0x28: {  	[dreg:$0x4] =	wrdreg $0x9  }
0x29: {  	_ =	task.clear_ibuf [dreg:s7], $0x5FFFF;
	_ =	strace $0x90000046  }
0x2a: {  	s29 =	simm.s32 $0x9;
	_ =	strace $0x80000048  }
0x2b: {  	_ =	swait.ge [sflag:s29], $0x1  }
0x2c: {  	[sflag:s29] =	ssyncadd.s32 $0xFFFFFFFF  }
0x2d: {  	_ =	strace $0x90000048  }
0x2e: {  	_ =	sfence  }
0x2f: {  	s30 =	sld [smem:$0x0];
	_ =	sdelay $0x2  }
0x30: {  	s31 =	sshll.u32 s1, $0xD;
	s1 =	sshrl.u32 s1, $0x2  }
0x31: {  	s3 =	sand.u32 $0x4000, s31;
	s1 =	sadd.s32 s1, s30  }
0x32: {  	s0 =	sor.u32 s3, s0;
	s1 =	sshll.u32 s1, $0x11  }
0x33: {  	s0 =	sor.u32 s1, s0  }
0x34: {  	s0 =	sadd.s32 $0x8F2B, s0  }
0x35: {  	[sflag:s0] =	ssyncadd.remote.s32 $0x1  }
0x36: {  	_ =	sfence.sel $0xFFFF  }
0x37: {  	[dreg:$0x0] =	wrdreg $0xFFFFFFFF;
	(pc) =	sbr.abs _section_cstart, $3  }
0x38: {  	[dreg:$0x1] =	wrdreg $0xFFFFFFFF  }
0x39: {  	_ =	task.clear_ibuf [dreg:s7], $0x2FFFF;
	_ =	strace $0x9FFFFFFF  }
0x3a: {  	(tm) =	ssettm $0x7FFFFFFF  }
0x3b: {  	_ =	shalt  }
tec
execute0_lowered:
.L_overlay_start_1:
0x0: {  	(tag) =	ssettag $0x1  }
0x1: {  	s4 =	rddreg [dreg:$0x0];
	s0 =	stileid.u32  }
0x2: {  	s1 =	srdreg.scid;
	s2 =	rddreg [dreg:$0x1]  }
0x3: {  	s8 =	simm.s32 $0x2;
	s16 =	simm.s32 $0x0;
	p0 =	por $0x0, $0x0  }
0x4: {  	s18 =	simm.s32 $0x0;
	s17 =	simm.s32 $0x0;
	s9 =	simm.s32 $0x0  }
0x5: {  	s10 =	simm.s32 $0x0;
	s11 =	simm.s32 $0x0;
	s14 =	simm.s32 $0x0  }
0x6: {  	s15 =	simm.s32 $0x0;
	s3 =	sshll.u32 s0, $0x4;
	s5 =	sshll.u32 s1, $0x8  }
.Ltmp0:
0x7: {  	s1 =	rddreg [dreg:$0x2];
	s3 =	sor.u32 s3, s5;
	(pc) =	sbr.rel .LBB1_1-.Ltmp0, $4  }
0x8: {  	_ =	strace $0x80000047;
	s4 =	sadd.s32 $0x800, s4;
	s3 =	sand.u32 $0x180, s3  }
0x9: {  	s7 =	sand.u32 $0x7, s0;
	s5 =	simm.s32 $0x1;
	s6 =	ssub.s32 $0x2700, s3  }
0xa: {  	s13 =	smov.u32 s7;
	[sflag:s5] =	ssyncpa.u1 $0x0;
	s6 =	sshrl.u32 s6, $0x9  }
0xb: {  	[sflag:s8] =	ssyncpa.u1 $0x0;
	s12 =	smov.u32 s3;
	s8 =	sadd.s32 $0x2, s6  }
.LBB1_5:
0xc: {  	p1 =	slt.u32 s15, $0x2  }
0xd: {  	p2 =	sgt.s32 @!p1 s18, $0x7  }
0xe: {  	s19 =	smov.u32 s18;
	s20 =	sshra.s32 @!p1 s18, $0x1F;
	p2 =	por !p2, p1  }
0xf: {  	s18 =	sand.u32 @!p1 s20, s18;
	s19 =	simm.s32 @p2 $0x7  }
0x10: {  	p3 =	sgt.s32 @!p1 s16, $0x2690;
	s18 =	ssub.s32 @!p1 s19, s18  }
0x11: {  	p3 =	por !p3, p1;
	s20 =	smov.u32 s16;
	s19 =	sadd.s32 @!p1 $0xFFFFFFF9, s18  }
0x12: {  	s18 =	ssub.s32 @!p1 $0x8, s18;
	p2 =	sgt.s32 @!p1 s19, $0x0;
	s19 =	sshra.s32 @!p1 s16, $0x1F  }
0x13: {  	s16 =	sand.u32 @!p1 s19, s16;
	s19 =	ssub.s32 @!p1 $0x0, s17;
	p2 =	por !p2, p1  }
0x14: {  	s20 =	simm.s32 @p3 $0x2690;
	s17 =	smin.u32 @!p1 s17, s19;
	s18 =	simm.s32 @!p2 $0x0  }
0x15: {  	s16 =	ssub.s32 @!p1 s20, s16;
	s20 =	smov.u32 s13;
	p2 =	sgt.s32 @!p1 s17, $0x7F  }
0x16: {  	s19 =	sadd.s32 @!p1 $0xFFFFD970, s16;
	s17 =	ssub.s32 @!p1 $0x80, s17;
	p2 =	por !p2, p1  }
0x17: {  	s16 =	ssub.s32 @!p1 $0x2710, s16;
	p3 =	sgt.s32 @!p1 s19, $0x7F;
	s17 =	simm.s32 @!p2 $0x0  }
0x18: {  	s19 =	sadd.s32 $0x200, s12;
	p2 =	por !p3, p1;
	s17 =	smul.u32 @!p1 s17, s18  }
0x19: {  	s16 =	simm.s32 @!p2 $0x0;
	p2 =	sgt.s32 s19, $0x270F;
	s18 =	sadd.s32 $0x8, s13  }
0x1a: {  	s21 =	smov.u32 s14;
	s20 =	smov.u32 @p2 s18  }
0x1b: {  	s16 =	smul.u32 @!p1 s16, s17;
	p3 =	sgt.s32 s20, $0x7;
	s17 =	sadd.s32 $0x80, s14  }
0x1c: {  	p0 =	por !p0, !p0;
	s22 =	simm.s32 @!p1 $0x2;
	s21 =	smov.u32 @p3 s17  }
0x1d: {  	s19 =	smov.u32 @p2 s3;
	s18 =	smov.u32 s10;
	p2 =	sgt.s32 s21, $0x7F  }
0x1e: {  	s10 =	smov.u32 s13;
	s21 =	simm.s32 @p2 $0x0;
	p2 =	sne.s32 s15, s8  }
.Ltmp1:
0x1f: {  	s20 =	smov.u32 @p3 s7;
	s17 =	smov.u32 s11;
	(pc) =	sbr.rel @!p2 .LBB1_6-.Ltmp1, $4  }
0x20: {  	s11 =	smov.u32 s14;
	s16 =	sand.u32 @!p1 $0x3FFFFFFF, s16;
	s13 =	smov.u32 s20  }
0x21: {  	_ =	swait.ge @!p1 [sflag:s22], s16;
	s23 =	ssub.s32 @!p1 $0x0, s16;
	s16 =	smov.u32 s9  }
0x22: {  	s15 =	sadd.s32 $0x1, s15;
	s9 =	smov.u32 s12;
	[sflag:s22] =	ssyncset.done @!p1 $0x0  }
0x23: {  	s12 =	smov.u32 s19;
	s14 =	smov.u32 s21;
	[sflag:s22] =	ssyncadd.s32 @!p1 s23  }
.LBB1_1:
0x24: {  	p1 =	sgt.u32 s15, s6  }
0x25: {  	s19 =	sshrl.u32 @!p1 s13, $0x3  }
0x26: {  	s20 =	sshll.u32 @!p1 s12, $0x3;
	s19 =	smul.u32 @!p1 $0x13C00, s19  }
0x27: {  	s21 =	sshll.u32 @!p1 s13, $0x7;
	s20 =	sand.u32 @!p1 $0xFFFFFC00, s20  }
0x28: {  	s19 =	sadd.s32 @!p1 s19, s20;
	s20 =	sand.u32 @!p1 $0x380, s21  }
0x29: {  	s21 =	sand.u32 @!p1 $0x7F, s12;
	s19 =	sor.u32 @!p1 s20, s19  }
0x2a: {  	s20 =	sor.u32 @!p1 s21, s19  }
0x2b: {  	s21 =	smulhi.u32 @!p1 $0xCF6474A9, s20  }
0x2c: {  	s19 =	smulhi.u32 @!p1 $0xCF6474A9, s19  }
0x2d: {  	s21 =	sshrl.u32 @!p1 s21, $0xD  }
0x2e: {  	s19 =	sshrl.u32 @!p1 s19, $0xD;
	s21 =	smul.u32 @!p1 $0x2780, s21  }
0x2f: {  	s22 =	sxor.u32 @!p1 $0xFFFFFFFF, s15;
	s23 =	smul.u32 @!p1 $0x2780, s14;
	s19 =	sand.u32 @!p1 $0x7, s19  }
0x30: {  	s22 =	sshll.u32 @!p1 s22, $0xE;
	s19 =	smul.u32 @!p1 $0x4F0, s19;
	s20 =	ssub.s32 @!p1 s20, s21  }
0x31: {  	s21 =	sand.u32 @!p1 $0x4000, s22;
	s22 =	sadd.s32 @!p1 s4, s23;
	s23 =	sand.u32 @!p1 $0x7, s20  }
0x32: {  	s20 =	sshrl.u32 @!p1 s20, $0x3;
	s19 =	sadd.s32 @!p1 s19, s22;
	s22 =	sshll.u32 @!p1 s23, $0x12  }
0x33: {  	s19 =	sadd.s32 @!p1 s20, s19;
	s20 =	sor.u32 @!p1 $0x80, s22;
	s22 =	simm.s32 @!p1 $0x13C00  }
0x34: {  	[tilespmem:s21], [sflag:$0x1] =	stream.strided.gather @!p1 [hbm4b:s19+s20], $0x4000, s22, s20, $0x38;
	[tilespmem:$0x10100] =	vst v63  }
0x35: {  	p1 =	seq.s32 s15, $0x0  }
0x36: {  	p2 =	sge.u32 @!p1 s15, s8  }
0x37: {  	p1 =	por p1, p2  }
.Ltmp2:
0x38: {  	_ = 	snop;
	(pc) =	sbr.rel @p1 .LBB1_5-.Ltmp2, $1  }
0x39: {  	_ =	sdelay $0x3  }
0x3a: {  	s19 =	simm.s32 $0x1  }
0x3b: {  	_ =	swait.ge [sflag:s5], $0x4000;
	s19 =	simm.s32 @!p0 $0x0  }
0x3c: {  	[sflag:s5] =	ssyncset.done $0x0;
	s20 =	sshll.u32 s19, $0xE  }
0x3d: {  	[sflag:s5] =	ssyncadd.s32 $0xFFFFC000;
	s20 =	sor.u32 $0x40, s20  }
0x3e: {  	s19 =	smul.u32 $0x10200, s19;
	v0 =	vld [tilespmem:s20+$0x30]  }
0x3f: {  	v1 =	vld [tilespmem:s20+$0xFFFFFFD0]  }
0x40: {  	s19 =	sshrl.u32 s19, $0x2;
	v5 =	vld [tilespmem:s20+$0xFFFFFFE0]  }
0x41: {  	v6 =	vld [tilespmem:s20+$0xFFFFFFF0];
	s22 =	sor.u32 $0x8000, s19  }
0x42: {  	s31 =	sand.u32 $0x1, s15;
	v4 =	vld [tilespmem:s20+$0x0];
	s21 =	sadd.s32 $0x0, s22  }
0x43: {  	v3 =	vld [tilespmem:s20+$0x10];
	s19 =	smul.u32 $0x10200, s31;
	[tilespmem:s21+$0x3870 ss:$0x81] =	vst.msk $0xffff, v0  }
0x44: {  	v2 =	vld [tilespmem:s20+$0x20];
	[tilespmem:s21+$0x810 ss:$0x81] =	vst.msk $0xffff, v1  }
0x45: {  	s19 =	sshrl.u32 s19, $0x2;
	v0 =	vld [tilespmem:s20+$0xFFFFFFC0];
	[tilespmem:s21+$0x1020 ss:$0x81] =	vst.msk $0xffff, v5;
	s20 =	sadd.s32 $0x80, s20  }
0x46: {  	s23 =	simm.s32 $0x4;
	s24 =	simm.s32 $0x8;
	s19 =	sor.u32 $0x8000, s19;
	[tilespmem:s21+$0x1830 ss:$0x81] =	vst.msk $0xffff, v6;
	v1 =	vld [tilespmem:s20+$0x30]  }
.LBB1_3:
0x47: {  	p1 =	sne.s32 s24, $0x1FC;
	v5 =	vld [tilespmem:s20+$0xFFFFFFD0];
	[tilespmem:s21+$0x2040 ss:$0x81] =	vst.msk $0xffff, v4  }
0x48: {  	v6 =	vld [tilespmem:s20+$0xFFFFFFE0];
	[tilespmem:s21+$0x2850 ss:$0x81] =	vst.msk $0xffff, v3  }
0x49: {  	s25 =	sshra.s32 s23, $0x2;
	s23 =	smov.u32 s24;
	v7 =	vld [tilespmem:s20+$0xFFFFFFF0];
	[tilespmem:s21+$0x3060 ss:$0x81] =	vst.msk $0xffff, v2  }
.Ltmp3:
0x4a: {  	v4 =	vld [tilespmem:s20+$0x0];
	[tilespmem:s21+$0x0 ss:$0x81] =	vst.msk $0xffff, v0;
	s21 =	sadd.s32 s25, s22;
	(pc) =	sbr.rel @p1 .LBB1_3-.Ltmp3, $4  }
0x4b: {  	v3 =	vld [tilespmem:s20+$0x10];
	[tilespmem:s21+$0x3870 ss:$0x81] =	vst.msk $0xffff, v1  }
0x4c: {  	[tilespmem:s21+$0x810 ss:$0x81] =	vst.msk $0xffff, v5;
	v2 =	vld [tilespmem:s20+$0x20]  }
0x4d: {  	v0 =	vld [tilespmem:s20+$0xFFFFFFC0];
	[tilespmem:s21+$0x1020 ss:$0x81] =	vst.msk $0xffff, v6;
	s20 =	sadd.s32 $0x80, s20  }
0x4e: {  	s24 =	sadd.s32 $0x4, s24;
	v1 =	vld [tilespmem:s20+$0x30];
	[tilespmem:s21+$0x1830 ss:$0x81] =	vst.msk $0xffff, v7  }
0x4f: {  	s24 =	sshll.u32 s9, $0x7  }
0x50: {  	s25 =	sshll.u32 s11, $0x3;
	p1 =	sgt.s32 s10, $0x7;
	s29 =	sshra.s32 s10, $0x1F  }
0x51: {  	s23 =	sshra.s32 s23, $0x2;
	s26 =	sand.u32 $0xFFFFFC00, s24;
	s25 =	sand.u32 $0xFFFFFC00, s25  }
0x52: {  	s28 =	ssub.s32 $0x0, s11;
	s24 =	sand.u32 $0x380, s24;
	s25 =	sadd.s32 s25, s26  }
0x53: {  	[tilespmem:s21+$0x2040 ss:$0x81] =	vst.msk $0xffff, v4;
	s22 =	sadd.s32 s23, s22;
	s24 =	sor.u32 s24, s25;
	s25 =	smov.u32 s10  }
0x54: {  	[tilespmem:s21+$0x2850 ss:$0x81] =	vst.msk $0xffff, v3;
	s26 =	sand.u32 s29, s10;
	s24 =	sshrl.u32 s24, $0x7;
	s25 =	simm.s32 @!p1 $0x7  }
0x55: {  	v5 =	vld [tilespmem:s20+$0xFFFFFFD0];
	[tilespmem:s21+$0x3060 ss:$0x81] =	vst.msk $0xffff, v2;
	s29 =	sshra.s32 s9, $0x1F;
	s27 =	smulhi.u32 $0x1A36E2F, s24;
	s25 =	ssub.s32 s25, s26  }
0x56: {  	v58 =	vld [tilespmem:s20+$0xFFFFFFE0];
	[tilespmem:s21+$0x0 ss:$0x81] =	vst.msk $0xffff, v0;
	s21 =	sand.u32 s29, s9;
	s30 =	sadd.s32 $0xFFFFFFF9, s25;
	s23 =	ssub.s32 $0x8, s25  }
0x57: {  	v59 =	vld [tilespmem:s20+$0xFFFFFFF0];
	s25 =	smov.u32 s9;
	s31 =	sshrl.u32 s27, $0x6;
	p1 =	sgt.s32 s30, $0x0  }
0x58: {  	v60 =	vld [tilespmem:s20+$0x0];
	s27 =	smin.u32 s11, s28;
	s23 =	simm.s32 @p1 $0x0;
	p1 =	sgt.s32 s9, $0x2690  }
0x59: {  	v61 =	vld [tilespmem:s20+$0x10];
	[tilespmem:s22+$0x3870 ss:$0x81] =	vst.msk $0xffff, v1;
	s25 =	simm.s32 @!p1 $0x2690;
	p1 =	sgt.s32 s27, $0x7F;
	s27 =	ssub.s32 $0x80, s27  }
0x5a: {  	v62 =	vld [tilespmem:s20+$0x20];
	[tilespmem:s22+$0x810 ss:$0x81] =	vst.msk $0xffff, v5;
	s30 =	smul.u32 $0x2710, s31;
	s21 =	ssub.s32 s25, s21;
	s27 =	simm.s32 @p1 $0x0  }
0x5b: {  	v63 =	vld [tilespmem:s20+$0xFFFFFFC0];
	[tilespmem:s22+$0x1020 ss:$0x81] =	vst.msk $0xffff, v58;
	s28 =	sshrl.u32 s11, $0x3;
	s31 =	smul.u32 s27, s23;
	s26 =	sadd.s32 $0xFFFFD970, s21  }
0x5c: {  	[tilespmem:s22+$0x1830 ss:$0x81] =	vst.msk $0xffff, v59;
	s21 =	ssub.s32 $0x2710, s21;
	s27 =	smul.u32 $0x27100, s10;
	p1 =	sgt.s32 s26, $0x7F  }
.Ltmp4:
0x5d: {  	[tilespmem:s22+$0x2040 ss:$0x81] =	vst.msk $0xffff, v60;
	s29 =	sand.u32 $0xF, s28;
	s21 =	simm.s32 @p1 $0x0;
	(pc) =	sbr.rel .LBB1_5-.Ltmp4, $4  }
0x5e: {  	[tilespmem:s22+$0x2850 ss:$0x81] =	vst.msk $0xffff, v61;
	s24 =	ssub.s32 s24, s30;
	s23 =	sadd.s32 s2, s27;
	s20 =	smul.u32 s21, s31  }
0x5f: {  	[tilespmem:s22+$0x3060 ss:$0x81] =	vst.msk $0xffff, v62;
	s30 =	sshll.u32 s24, $0x4;
	s21 =	sadd.s32 s29, s23  }
0x60: {  	[tilespmem:s22+$0x0 ss:$0x81] =	vst.msk $0xffff, v63;
	s31 =	sand.u32 $0x7, s11;
	s21 =	sadd.s32 s30, s21;
	s20 =	sand.u32 $0x3FFFFFFF, s20  }
0x61: {  	[hbm4b:s21+s31] =	stream.linear.scatter [tilespmem:s19], [sflag:$0x2], s20, $0x20;
	[tilespmem:$0x10100] =	vst v63  }
.LBB1_6:
0x62: {  	_ =	sfence.sel $0x180000  }
0x63: {  	s2 =	simm.s32 $0x1;
	[bflag:$0x0] =	sbarrier.arrive $0xFFFF  }
0x64: {  	s31 =	simm.s32 $0x2;
	[sflag:s2] =	ssyncpa.u1 $0x1  }
0x65: {  	[sflag:s31] =	ssyncpa.u1 $0x1  }
0x66: {  	p0 =	sne.s32 s0, $0x0;
	_ =	strace $0x90000047  }
0x67: {  	s0 =	sadd.s32 @!p0 $0x100000, s1;
	[bflag:$0x2] =	sbarrier.arrive $0xFFFF  }
0x68: {  	[sflag:s0] =	ssyncadd.tile.s32 @!p0 $0x1;
	_ =	shalt  }
.Lfunc_end1:
_tile_overlayer_lowered:
.L_overlay_start_2:
0x69: {  	(tag) =	ssettag $0x2  }
0x6a: {  	s0 =	rddreg [dreg:$0x0];
	s2 =	stileid.u32  }
0x6b: {  	s1 =	rddreg [dreg:$0x1];
	p0 =	sne.s32 s2, $0x0  }
0x6c: {  	s3 =	rddreg [dreg:$0x2];
	[bflag:$0x3] =	sbarrier.arrive $0xFFFF;
	s2 =	simm.s32 @!p0 $0x1C01  }
0x6d: {  	[timem:s3], [sflag:s2] =	dma.local @!p0 [hbm:s0], s1  }
0x6e: {  	s0 =	simm.s32 @!p0 $0x1  }
0x6f: {  	_ =	swait.ge @!p0 [sflag:s0], s1  }
0x70: {  	s1 =	ssub.s32 @!p0 $0x0, s1;
	[sflag:s0] =	ssyncset.done @!p0 $0x0  }
0x71: {  	[sflag:s0] =	ssyncadd.s32 @!p0 s1  }
0x72: {  	[bflag:$0x3] =	sbarrier.arrive $0xFFFF  }
0x73: {  	_ =	shalt  }

</sc_bundles>
